<compile_context>
chip_gen: v7x
topology: tpu7x:2x2x1
jax: 0.10.2.dev20260603
libtpu: 0.0.44.dev20260713+nightly
codegen_flags: <defaults>
</compile_context>

<pallas_src>
import functools

import jax
import jax.numpy as jnp
from jax import lax
from jax.experimental import pallas as pl
from jax.experimental.pallas import tpu as pltpu
from jax.experimental.pallas import tpu_sc as plsc

_info = plsc.get_sparse_core_info()
_NC, _NS, _L = _info.num_cores, _info.num_subcores, _info.num_lanes
_NW = _NC * _NS


@functools.partial(jax.jit, static_argnums=(2, 3, 4))
def _gather_rows(table_flat, idx, C, BANK, BPW):
    R, D = table_flat.shape
    NMAIN = C // BPW
    TAIL = C - NMAIN * BPW
    mesh = plsc.VectorSubcoreMesh(core_axis_name="c", subcore_axis_name="s")

    @functools.partial(
        pl.kernel,
        mesh=mesh,
        out_type=jax.ShapeDtypeStruct((C, D), jnp.float32),
        scratch_types=[
            pltpu.VMEM((BPW,), jnp.int32),
            pltpu.VMEM((_L,), jnp.int32),
            pltpu.VMEM((BPW - _L,), jnp.int32),
            pltpu.VMEM((_L,), jnp.int32),
            pltpu.VMEM((BPW, D), jnp.float32),
            pltpu.SemaphoreType.DMA,
            pltpu.SemaphoreType.DMA,
            pltpu.SemaphoreType.DMA,
        ],
    )
    def k(table_hbm, idx_hbm, out_hbm, idx_v, flata_v, flatb_v, flat3_v,
          rows_v, gsem, gsem2, wsem):
        wid = lax.axis_index("s") * _NC + lax.axis_index("c")
        lane = lax.iota(jnp.int32, _L)

        @pl.when(wid < NMAIN)
        def _main():
            base = wid * BPW
            NB = BPW - _L
            ia = pltpu.async_copy(
                idx_hbm.at[pl.ds(base, _L)], idx_v.at[pl.ds(0, _L)], gsem
            )
            ib = pltpu.async_copy(
                idx_hbm.at[pl.ds(base + _L, NB)],
                idx_v.at[pl.ds(_L, NB)],
                gsem2,
            )
            ia.wait()
            flata_v[...] = (base + lane) * BANK + idx_v[pl.ds(0, _L)]
            ga = pltpu.async_copy(
                table_hbm.at[flata_v], rows_v.at[pl.ds(0, _L)], gsem
            )
            ib.wait()
            for off in (0, NB - _L):
                cat = base + _L + off + lane
                flatb_v[pl.ds(off, _L)] = (
                    cat * BANK + idx_v[pl.ds(_L + off, _L)]
                )
            gb = pltpu.async_copy(
                table_hbm.at[flatb_v], rows_v.at[pl.ds(_L, NB)], gsem2
            )
            ga.wait()
            wa = pltpu.async_copy(
                rows_v.at[pl.ds(0, _L)],
                out_hbm.at[pl.ds(base, _L)],
                wsem,
            )
            gb.wait()
            pltpu.async_copy(
                rows_v.at[pl.ds(_L, NB)],
                out_hbm.at[pl.ds(base + _L, NB)],
                wsem,
            ).wait()
            wa.wait()

        @pl.when(wid == NMAIN)
        def _tail():
            base = NMAIN * BPW
            rd = base - _L
            n = C - rd
            pltpu.sync_copy(idx_hbm.at[pl.ds(rd, n)], idx_v.at[pl.ds(0, n)])
            cat = jnp.minimum(rd + _L + lane, C - 1)
            vals = idx_v[pl.ds(_L, _L)]
            vals = jnp.minimum(jnp.maximum(vals, 0), BANK - 1)
            flat3_v[...] = cat * BANK + vals
            pltpu.async_copy(
                table_hbm.at[flat3_v], rows_v.at[pl.ds(0, _L)], gsem
            ).wait()
            pltpu.async_copy(
                rows_v.at[pl.ds(0, TAIL)],
                out_hbm.at[pl.ds(base, TAIL)],
                wsem,
            ).wait()

    return k(table_flat, idx)


def kernel(table, indices):
    C, BANK, D = table.shape
    BPW = 40
    table_flat = table.reshape(C * BANK, D)
    return _gather_rows(table_flat, indices.astype(jnp.int32), C, BANK, BPW)

# --- scband reference (transcript-rebuilt; emitter-appended) ---
"""Pipeline reference for scband-visual-category-embedding-83846351552856 (READ-ONLY COPY).

The authoritative reference and input builder live on the scoring server;
editing this copy changes nothing except your own understanding.
"""

import jax, jax.numpy as jnp
import numpy as np

NUM_CATEGORIES = 1203
BANK_SIZE = 256
EMBED_DIM = 256

def setup_inputs(seed: int = 0) -> dict:
    key = jax.random.key(seed)
    k_table, k_idx = jax.random.split(key)
    table = jax.random.normal(k_table, (NUM_CATEGORIES, BANK_SIZE, EMBED_DIM), dtype=jnp.float32)
    indices = jax.random.randint(k_idx, (NUM_CATEGORIES,), 0, BANK_SIZE, dtype=jnp.int64 if jax.config.jax_enable_x64 else jnp.int32).astype(jnp.int32)
    return {"table": table, "indices": indices}

def reference(table, indices):
    # Original torch module: for each category, sample one embedding from that
    # category's bank of cached visual embeddings and stack them.
    # Faithful jax translation: per-row gather from a [C, BANK, D] table using
    # a per-category sampled index, producing [C, D].
    C = table.shape[0]
    row_ids = jnp.arange(C)
    out = table[row_ids, indices]  # gather: one embedding per category
    return out

if __name__ == "__main__":
    import jax
    _d = setup_inputs()
    print(jax.jit(kernel)(*tuple(_d.values())))

</pallas_src>

<mosaic_0001>
#map = affine_map<(d0, d1) -> (0, 0)>
#map1 = affine_map<(d0, d1) -> (0)>
module attributes {stable_mosaic.version = 14 : i64} {
  func.func @k(%arg0: i32, %arg1: i32, %arg2: memref<307968x256xf32, #tpu.memory_space<hbm>>, %arg3: memref<1203xi32, #tpu.memory_space<hbm>>, %arg4: memref<1203x256xf32, #tpu.memory_space<hbm>>, %arg5: memref<40xi32, #tpu.memory_space<vmem>>, %arg6: memref<16xi32, #tpu.memory_space<vmem>>, %arg7: memref<24xi32, #tpu.memory_space<vmem>>, %arg8: memref<16xi32, #tpu.memory_space<vmem>>, %arg9: memref<40x256xf32, #tpu.memory_space<vmem>>, %arg10: memref<!tpu.dma_semaphore, #tpu.memory_space<semaphore_mem>>, %arg11: memref<!tpu.dma_semaphore, #tpu.memory_space<semaphore_mem>>, %arg12: memref<!tpu.dma_semaphore, #tpu.memory_space<semaphore_mem>>) attributes {dimension_semantics = [#tpu.dimension_semantics<core_parallel>, #tpu.dimension_semantics<subcore_parallel>], iteration_bounds = array<i64: 2, 16>, scalar_prefetch = 0 : i64, scratch_operands = 8 : i64, tpu.core_type = #tpu.core_type<sc_vector_subcore>, window_params = [{transform_indices = #map}, {transform_indices = #map1}, {transform_indices = #map}]} {
    %mul3A = arith.constant 2 : i32
    %mul3A_0 = arith.muli %arg1, %mul3A : i32
    %add3A = arith.addi %mul3A_0, %arg0 : i32
    %iota3A = tpu.iota {dimensions = array<i32: 0>} : vector<16xi32>
    %lt3A = arith.constant 30 : i32
    %lt3A_1 = arith.cmpi slt, %add3A, %lt3A : i32
    %convert_element_type3A = arith.extui %lt3A_1 : i1 to i32
    %cond3A = arith.constant 0 : i32
    %cond3A_2 = arith.cmpi ne, %convert_element_type3A, %cond3A : i32
    scf.if %cond3A_2 {
      %mul3A_7 = arith.constant 40 : i32
      %mul3A_8 = arith.muli %add3A, %mul3A_7 : i32
      %dma_start3A = arith.constant 0 : i32
      %dma_start3A_9 = tpu.memref_slice %arg5[%dma_start3A] : memref<40xi32, #tpu.memory_space<vmem>> -> memref<16xi32, #tpu.memory_space<vmem>>
      %dma_start3A_10 = tpu.memref_slice %arg3[%mul3A_8] : memref<1203xi32, #tpu.memory_space<hbm>> -> memref<16xi32, #tpu.memory_space<hbm>>
      %dma_start3A_11 = arith.constant 0 : i32
      %dma_start3A_12 = tpu.memref_slice %arg5[%dma_start3A_11] : memref<40xi32, #tpu.memory_space<vmem>> -> memref<16xi32, #tpu.memory_space<vmem>>
      %dma_start3A_13 = tpu.memref_slice %arg3[%mul3A_8] : memref<1203xi32, #tpu.memory_space<hbm>> -> memref<16xi32, #tpu.memory_space<hbm>>
      tpu.enqueue_dma source(%dma_start3A_13 : memref<16xi32, #tpu.memory_space<hbm>>) target(%dma_start3A_12 : memref<16xi32, #tpu.memory_space<vmem>>) target_semaphore(%arg10 : memref<!tpu.dma_semaphore, #tpu.memory_space<semaphore_mem>>)
      %add3A_14 = arith.constant 16 : i32
      %add3A_15 = arith.addi %mul3A_8, %add3A_14 : i32
      %dma_start3A_16 = arith.constant 16 : i32
      %dma_start3A_17 = tpu.memref_slice %arg5[%dma_start3A_16] : memref<40xi32, #tpu.memory_space<vmem>> -> memref<24xi32, #tpu.memory_space<vmem>>
      %dma_start3A_18 = tpu.memref_slice %arg3[%add3A_15] : memref<1203xi32, #tpu.memory_space<hbm>> -> memref<24xi32, #tpu.memory_space<hbm>>
      %dma_start3A_19 = arith.constant 16 : i32
      %dma_start3A_20 = tpu.memref_slice %arg5[%dma_start3A_19] : memref<40xi32, #tpu.memory_space<vmem>> -> memref<24xi32, #tpu.memory_space<vmem>>
      %dma_start3A_21 = tpu.memref_slice %arg3[%add3A_15] : memref<1203xi32, #tpu.memory_space<hbm>> -> memref<24xi32, #tpu.memory_space<hbm>>
      tpu.enqueue_dma source(%dma_start3A_21 : memref<24xi32, #tpu.memory_space<hbm>>) target(%dma_start3A_20 : memref<24xi32, #tpu.memory_space<vmem>>) target_semaphore(%arg11 : memref<!tpu.dma_semaphore, #tpu.memory_space<semaphore_mem>>)
      %dma_wait3A = arith.constant 0 : i32
      %dma_wait3A_22 = tpu.memref_slice %arg5[%dma_wait3A] : memref<40xi32, #tpu.memory_space<vmem>> -> memref<16xi32, #tpu.memory_space<vmem>>
      %dma_wait3A_23 = tpu.memref_slice %arg3[%mul3A_8] : memref<1203xi32, #tpu.memory_space<hbm>> -> memref<16xi32, #tpu.memory_space<hbm>>
      %dma_wait3A_24 = arith.constant 0 : i32
      %dma_wait3A_25 = tpu.memref_slice %arg5[%dma_wait3A_24] : memref<40xi32, #tpu.memory_space<vmem>> -> memref<16xi32, #tpu.memory_space<vmem>>
      %dma_wait3A_26 = tpu.memref_slice %arg3[%mul3A_8] : memref<1203xi32, #tpu.memory_space<hbm>> -> memref<16xi32, #tpu.memory_space<hbm>>
      tpu.wait_dma2 semaphore(%arg10 : memref<!tpu.dma_semaphore, #tpu.memory_space<semaphore_mem>>) src(%dma_wait3A_26 : memref<16xi32, #tpu.memory_space<hbm>>) dst(%dma_wait3A_25 : memref<16xi32, #tpu.memory_space<vmem>>)
      %add3A_27 = vector.broadcast %mul3A_8 : i32 to vector<16xi32>
      %add3A_28 = arith.addi %add3A_27, %iota3A : vector<16xi32>
      %mul3A_29 = arith.constant 256 : i32
      %mul3A_30 = vector.broadcast %mul3A_29 : i32 to vector<16xi32>
      %mul3A_31 = arith.muli %add3A_28, %mul3A_30 : vector<16xi32>
      %get3A = arith.constant 0 : index
      %get3A_32 = tpu.vector_load %arg5[%get3A] {strides = array<i32>} : memref<40xi32, #tpu.memory_space<vmem>>, vector<16xi32>,
      %get3A_33 = vector.shape_cast %get3A_32 : vector<16xi32> to vector<16xi32>
      %add3A_34 = arith.addi %mul3A_31, %get3A_33 : vector<16xi32>
      %swap3A = arith.constant 0 : index
      %swap3A_35 = tpu.vector_load %arg6[%swap3A] {strides = array<i32>} : memref<16xi32, #tpu.memory_space<vmem>>, vector<16xi32>,
      %swap3A_36 = vector.shape_cast %swap3A_35 : vector<16xi32> to vector<16xi32>
      %swap3A_37 = vector.shape_cast %add3A_34 : vector<16xi32> to vector<16xi32>
      tpu.vector_store %arg6[%swap3A], %swap3A_37 {strides = array<i32>} : memref<16xi32, #tpu.memory_space<vmem>>, vector<16xi32>,
      %dma_start3A_38 = arith.constant 0 : i32
      %dma_start3A_39 = arith.constant 0 : i32
      %dma_start3A_40 = tpu.memref_slice %arg9[%dma_start3A_38, %dma_start3A_39] : memref<40x256xf32, #tpu.memory_space<vmem>> -> memref<16x256xf32, #tpu.memory_space<vmem>>
      %dma_start3A_41 = arith.constant 0 : i32
      %dma_start3A_42 = arith.constant 0 : i32
      %dma_start3A_43 = tpu.memref_slice %arg2[%dma_start3A_41, %dma_start3A_42] : memref<307968x256xf32, #tpu.memory_space<hbm>> -> memref<307968x256xf32, #tpu.memory_space<hbm>>
      tpu.enqueue_indirect_dma source(%dma_start3A_43 : memref<307968x256xf32, #tpu.memory_space<hbm>>) target(%dma_start3A_40 : memref<16x256xf32, #tpu.memory_space<vmem>>) offsets(%arg6 : memref<16xi32, #tpu.memory_space<vmem>>) semaphore(%arg10 : memref<!tpu.dma_semaphore, #tpu.memory_space<semaphore_mem>>)
      %dma_wait3A_44 = arith.constant 16 : i32
      %dma_wait3A_45 = tpu.memref_slice %arg5[%dma_wait3A_44] : memref<40xi32, #tpu.memory_space<vmem>> -> memref<24xi32, #tpu.memory_space<vmem>>
      %dma_wait3A_46 = tpu.memref_slice %arg3[%add3A_15] : memref<1203xi32, #tpu.memory_space<hbm>> -> memref<24xi32, #tpu.memory_space<hbm>>
      %dma_wait3A_47 = arith.constant 16 : i32
      %dma_wait3A_48 = tpu.memref_slice %arg5[%dma_wait3A_47] : memref<40xi32, #tpu.memory_space<vmem>> -> memref<24xi32, #tpu.memory_space<vmem>>
      %dma_wait3A_49 = tpu.memref_slice %arg3[%add3A_15] : memref<1203xi32, #tpu.memory_space<hbm>> -> memref<24xi32, #tpu.memory_space<hbm>>
      tpu.wait_dma2 semaphore(%arg11 : memref<!tpu.dma_semaphore, #tpu.memory_space<semaphore_mem>>) src(%dma_wait3A_49 : memref<24xi32, #tpu.memory_space<hbm>>) dst(%dma_wait3A_48 : memref<24xi32, #tpu.memory_space<vmem>>)
      %add3A_50 = arith.constant 16 : i32
      %add3A_51 = arith.addi %mul3A_8, %add3A_50 : i32
      %add3A_52 = arith.constant 0 : i32
      %add3A_53 = arith.addi %add3A_51, %add3A_52 : i32
      %add3A_54 = vector.broadcast %add3A_53 : i32 to vector<16xi32>
      %add3A_55 = arith.addi %add3A_54, %iota3A : vector<16xi32>
      %mul3A_56 = arith.constant 256 : i32
      %mul3A_57 = vector.broadcast %mul3A_56 : i32 to vector<16xi32>
      %mul3A_58 = arith.muli %add3A_55, %mul3A_57 : vector<16xi32>
      %get3A_59 = arith.constant 16 : index
      %get3A_60 = tpu.vector_load %arg5[%get3A_59] {strides = array<i32>} : memref<40xi32, #tpu.memory_space<vmem>>, vector<16xi32>,
      %get3A_61 = vector.shape_cast %get3A_60 : vector<16xi32> to vector<16xi32>
      %add3A_62 = arith.addi %mul3A_58, %get3A_61 : vector<16xi32>
      %swap3A_63 = arith.constant 0 : index
      %swap3A_64 = tpu.vector_load %arg7[%swap3A_63] {strides = array<i32>} : memref<24xi32, #tpu.memory_space<vmem>>, vector<16xi32>,
      %swap3A_65 = vector.shape_cast %swap3A_64 : vector<16xi32> to vector<16xi32>
      %swap3A_66 = vector.shape_cast %add3A_62 : vector<16xi32> to vector<16xi32>
      tpu.vector_store %arg7[%swap3A_63], %swap3A_66 {strides = array<i32>} : memref<24xi32, #tpu.memory_space<vmem>>, vector<16xi32>,
      %add3A_67 = arith.constant 16 : i32
      %add3A_68 = arith.addi %mul3A_8, %add3A_67 : i32
      %add3A_69 = arith.constant 8 : i32
      %add3A_70 = arith.addi %add3A_68, %add3A_69 : i32
      %add3A_71 = vector.broadcast %add3A_70 : i32 to vector<16xi32>
      %add3A_72 = arith.addi %add3A_71, %iota3A : vector<16xi32>
      %mul3A_73 = arith.constant 256 : i32
      %mul3A_74 = vector.broadcast %mul3A_73 : i32 to vector<16xi32>
      %mul3A_75 = arith.muli %add3A_72, %mul3A_74 : vector<16xi32>
      %get3A_76 = arith.constant 24 : index
      %get3A_77 = tpu.vector_load %arg5[%get3A_76] {strides = array<i32>} : memref<40xi32, #tpu.memory_space<vmem>>, vector<16xi32>,
      %get3A_78 = vector.shape_cast %get3A_77 : vector<16xi32> to vector<16xi32>
      %add3A_79 = arith.addi %mul3A_75, %get3A_78 : vector<16xi32>
      %swap3A_80 = arith.constant 8 : index
      %swap3A_81 = tpu.vector_load %arg7[%swap3A_80] {strides = array<i32>} : memref<24xi32, #tpu.memory_space<vmem>>, vector<16xi32>,
      %swap3A_82 = vector.shape_cast %swap3A_81 : vector<16xi32> to vector<16xi32>
      %swap3A_83 = vector.shape_cast %add3A_79 : vector<16xi32> to vector<16xi32>
      tpu.vector_store %arg7[%swap3A_80], %swap3A_83 {strides = array<i32>} : memref<24xi32, #tpu.memory_space<vmem>>, vector<16xi32>,
      %dma_start3A_84 = arith.constant 16 : i32
      %dma_start3A_85 = arith.constant 0 : i32
      %dma_start3A_86 = tpu.memref_slice %arg9[%dma_start3A_84, %dma_start3A_85] : memref<40x256xf32, #tpu.memory_space<vmem>> -> memref<24x256xf32, #tpu.memory_space<vmem>>
      %dma_start3A_87 = arith.constant 0 : i32
      %dma_start3A_88 = arith.constant 0 : i32
      %dma_start3A_89 = tpu.memref_slice %arg2[%dma_start3A_87, %dma_start3A_88] : memref<307968x256xf32, #tpu.memory_space<hbm>> -> memref<307968x256xf32, #tpu.memory_space<hbm>>
      tpu.enqueue_indirect_dma source(%dma_start3A_89 : memref<307968x256xf32, #tpu.memory_space<hbm>>) target(%dma_start3A_86 : memref<24x256xf32, #tpu.memory_space<vmem>>) offsets(%arg7 : memref<24xi32, #tpu.memory_space<vmem>>) semaphore(%arg11 : memref<!tpu.dma_semaphore, #tpu.memory_space<semaphore_mem>>)
      %dma_wait3A_90 = arith.constant 0 : i32
      %dma_wait3A_91 = arith.constant 0 : i32
      %dma_wait3A_92 = tpu.memref_slice %arg9[%dma_wait3A_90, %dma_wait3A_91] : memref<40x256xf32, #tpu.memory_space<vmem>> -> memref<16x256xf32, #tpu.memory_space<vmem>>
      %dma_wait3A_93 = arith.constant 0 : i32
      %dma_wait3A_94 = arith.constant 0 : i32
      %dma_wait3A_95 = tpu.memref_slice %arg2[%dma_wait3A_93, %dma_wait3A_94] : memref<307968x256xf32, #tpu.memory_space<hbm>> -> memref<307968x256xf32, #tpu.memory_space<hbm>>
      tpu.wait_indirect_dma semaphore(%arg10 : memref<!tpu.dma_semaphore, #tpu.memory_space<semaphore_mem>>) src(%dma_wait3A_95 : memref<307968x256xf32, #tpu.memory_space<hbm>>) dst(%dma_wait3A_92 : memref<16x256xf32, #tpu.memory_space<vmem>>)
      %dma_start3A_96 = arith.constant 0 : i32
      %dma_start3A_97 = arith.constant 0 : i32
      %dma_start3A_98 = tpu.memref_slice %arg9[%dma_start3A_96, %dma_start3A_97] : memref<40x256xf32, #tpu.memory_space<vmem>> -> memref<16x256xf32, #tpu.memory_space<vmem>>
      %dma_start3A_99 = arith.constant 0 : i32
      %dma_start3A_100 = tpu.memref_slice %arg4[%mul3A_8, %dma_start3A_99] : memref<1203x256xf32, #tpu.memory_space<hbm>> -> memref<16x256xf32, #tpu.memory_space<hbm>>
      %dma_start3A_101 = arith.constant 0 : i32
      %dma_start3A_102 = tpu.memref_slice %arg4[%mul3A_8, %dma_start3A_101] : memref<1203x256xf32, #tpu.memory_space<hbm>> -> memref<16x256xf32, #tpu.memory_space<hbm>>
      %dma_start3A_103 = arith.constant 0 : i32
      %dma_start3A_104 = arith.constant 0 : i32
      %dma_start3A_105 = tpu.memref_slice %arg9[%dma_start3A_103, %dma_start3A_104] : memref<40x256xf32, #tpu.memory_space<vmem>> -> memref<16x256xf32, #tpu.memory_space<vmem>>
      tpu.enqueue_dma source(%dma_start3A_105 : memref<16x256xf32, #tpu.memory_space<vmem>>) target(%dma_start3A_102 : memref<16x256xf32, #tpu.memory_space<hbm>>) target_semaphore(%arg12 : memref<!tpu.dma_semaphore, #tpu.memory_space<semaphore_mem>>)
      %dma_wait3A_106 = arith.constant 16 : i32
      %dma_wait3A_107 = arith.constant 0 : i32
      %dma_wait3A_108 = tpu.memref_slice %arg9[%dma_wait3A_106, %dma_wait3A_107] : memref<40x256xf32, #tpu.memory_space<vmem>> -> memref<24x256xf32, #tpu.memory_space<vmem>>
      %dma_wait3A_109 = arith.constant 0 : i32
      %dma_wait3A_110 = arith.constant 0 : i32
      %dma_wait3A_111 = tpu.memref_slice %arg2[%dma_wait3A_109, %dma_wait3A_110] : memref<307968x256xf32, #tpu.memory_space<hbm>> -> memref<307968x256xf32, #tpu.memory_space<hbm>>
      tpu.wait_indirect_dma semaphore(%arg11 : memref<!tpu.dma_semaphore, #tpu.memory_space<semaphore_mem>>) src(%dma_wait3A_111 : memref<307968x256xf32, #tpu.memory_space<hbm>>) dst(%dma_wait3A_108 : memref<24x256xf32, #tpu.memory_space<vmem>>)
      %add3A_112 = arith.constant 16 : i32
      %add3A_113 = arith.addi %mul3A_8, %add3A_112 : i32
      %dma_start3A_114 = arith.constant 16 : i32
      %dma_start3A_115 = arith.constant 0 : i32
      %dma_start3A_116 = tpu.memref_slice %arg9[%dma_start3A_114, %dma_start3A_115] : memref<40x256xf32, #tpu.memory_space<vmem>> -> memref<24x256xf32, #tpu.memory_space<vmem>>
      %dma_start3A_117 = arith.constant 0 : i32
      %dma_start3A_118 = tpu.memref_slice %arg4[%add3A_113, %dma_start3A_117] : memref<1203x256xf32, #tpu.memory_space<hbm>> -> memref<24x256xf32, #tpu.memory_space<hbm>>
      %dma_start3A_119 = arith.constant 0 : i32
      %dma_start3A_120 = tpu.memref_slice %arg4[%add3A_113, %dma_start3A_119] : memref<1203x256xf32, #tpu.memory_space<hbm>> -> memref<24x256xf32, #tpu.memory_space<hbm>>
      %dma_start3A_121 = arith.constant 16 : i32
      %dma_start3A_122 = arith.constant 0 : i32
      %dma_start3A_123 = tpu.memref_slice %arg9[%dma_start3A_121, %dma_start3A_122] : memref<40x256xf32, #tpu.memory_space<vmem>> -> memref<24x256xf32, #tpu.memory_space<vmem>>
      tpu.enqueue_dma source(%dma_start3A_123 : memref<24x256xf32, #tpu.memory_space<vmem>>) target(%dma_start3A_120 : memref<24x256xf32, #tpu.memory_space<hbm>>) target_semaphore(%arg12 : memref<!tpu.dma_semaphore, #tpu.memory_space<semaphore_mem>>)
      %dma_wait3A_124 = arith.constant 16 : i32
      %dma_wait3A_125 = arith.constant 0 : i32
      %dma_wait3A_126 = tpu.memref_slice %arg9[%dma_wait3A_124, %dma_wait3A_125] : memref<40x256xf32, #tpu.memory_space<vmem>> -> memref<24x256xf32, #tpu.memory_space<vmem>>
      %dma_wait3A_127 = arith.constant 0 : i32
      %dma_wait3A_128 = tpu.memref_slice %arg4[%add3A_113, %dma_wait3A_127] : memref<1203x256xf32, #tpu.memory_space<hbm>> -> memref<24x256xf32, #tpu.memory_space<hbm>>
      %dma_wait3A_129 = arith.constant 0 : i32
      %dma_wait3A_130 = tpu.memref_slice %arg4[%add3A_113, %dma_wait3A_129] : memref<1203x256xf32, #tpu.memory_space<hbm>> -> memref<24x256xf32, #tpu.memory_space<hbm>>
      %dma_wait3A_131 = arith.constant 16 : i32
      %dma_wait3A_132 = arith.constant 0 : i32
      %dma_wait3A_133 = tpu.memref_slice %arg9[%dma_wait3A_131, %dma_wait3A_132] : memref<40x256xf32, #tpu.memory_space<vmem>> -> memref<24x256xf32, #tpu.memory_space<vmem>>
      tpu.wait_dma2 semaphore(%arg12 : memref<!tpu.dma_semaphore, #tpu.memory_space<semaphore_mem>>) src(%dma_wait3A_133 : memref<24x256xf32, #tpu.memory_space<vmem>>) dst(%dma_wait3A_130 : memref<24x256xf32, #tpu.memory_space<hbm>>)
      %dma_wait3A_134 = arith.constant 0 : i32
      %dma_wait3A_135 = arith.constant 0 : i32
      %dma_wait3A_136 = tpu.memref_slice %arg9[%dma_wait3A_134, %dma_wait3A_135] : memref<40x256xf32, #tpu.memory_space<vmem>> -> memref<16x256xf32, #tpu.memory_space<vmem>>
      %dma_wait3A_137 = arith.constant 0 : i32
      %dma_wait3A_138 = tpu.memref_slice %arg4[%mul3A_8, %dma_wait3A_137] : memref<1203x256xf32, #tpu.memory_space<hbm>> -> memref<16x256xf32, #tpu.memory_space<hbm>>
      %dma_wait3A_139 = arith.constant 0 : i32
      %dma_wait3A_140 = tpu.memref_slice %arg4[%mul3A_8, %dma_wait3A_139] : memref<1203x256xf32, #tpu.memory_space<hbm>> -> memref<16x256xf32, #tpu.memory_space<hbm>>
      %dma_wait3A_141 = arith.constant 0 : i32
      %dma_wait3A_142 = arith.constant 0 : i32
      %dma_wait3A_143 = tpu.memref_slice %arg9[%dma_wait3A_141, %dma_wait3A_142] : memref<40x256xf32, #tpu.memory_space<vmem>> -> memref<16x256xf32, #tpu.memory_space<vmem>>
      tpu.wait_dma2 semaphore(%arg12 : memref<!tpu.dma_semaphore, #tpu.memory_space<semaphore_mem>>) src(%dma_wait3A_143 : memref<16x256xf32, #tpu.memory_space<vmem>>) dst(%dma_wait3A_140 : memref<16x256xf32, #tpu.memory_space<hbm>>)
    } else {
    }
    %eq3A = arith.constant 30 : i32
    %eq3A_3 = arith.cmpi eq, %add3A, %eq3A : i32
    %convert_element_type3A_4 = arith.extui %eq3A_3 : i1 to i32
    %cond3A_5 = arith.constant 0 : i32
    %cond3A_6 = arith.cmpi ne, %convert_element_type3A_4, %cond3A_5 : i32
    scf.if %cond3A_6 {
      "tpu.region"() ({
        %run_scoped3A = tpu.sem_alloc : memref<!tpu.dma_semaphore, #tpu.memory_space<semaphore_mem>>
        %dma_start3A_60 = arith.constant 0 : i32
        %dma_start3A_61 = tpu.memref_slice %arg5[%dma_start3A_60] : memref<40xi32, #tpu.memory_space<vmem>> -> memref<19xi32, #tpu.memory_space<vmem>>
        %dma_start3A_62 = arith.constant 1184 : i32
        %dma_start3A_63 = tpu.memref_slice %arg3[%dma_start3A_62] : memref<1203xi32, #tpu.memory_space<hbm>> -> memref<19xi32, #tpu.memory_space<hbm>>
        %dma_start3A_64 = arith.constant 0 : i32
        %dma_start3A_65 = tpu.memref_slice %arg5[%dma_start3A_64] : memref<40xi32, #tpu.memory_space<vmem>> -> memref<19xi32, #tpu.memory_space<vmem>>
        %dma_start3A_66 = arith.constant 1184 : i32
        %dma_start3A_67 = tpu.memref_slice %arg3[%dma_start3A_66] : memref<1203xi32, #tpu.memory_space<hbm>> -> memref<19xi32, #tpu.memory_space<hbm>>
        tpu.enqueue_dma source(%dma_start3A_67 : memref<19xi32, #tpu.memory_space<hbm>>) target(%dma_start3A_65 : memref<19xi32, #tpu.memory_space<vmem>>) target_semaphore(%run_scoped3A : memref<!tpu.dma_semaphore, #tpu.memory_space<semaphore_mem>>)
        %dma_wait3A_68 = arith.constant 0 : i32
        %dma_wait3A_69 = tpu.memref_slice %arg5[%dma_wait3A_68] : memref<40xi32, #tpu.memory_space<vmem>> -> memref<19xi32, #tpu.memory_space<vmem>>
        %dma_wait3A_70 = arith.constant 1184 : i32
        %dma_wait3A_71 = tpu.memref_slice %arg3[%dma_wait3A_70] : memref<1203xi32, #tpu.memory_space<hbm>> -> memref<19xi32, #tpu.memory_space<hbm>>
        %dma_wait3A_72 = arith.constant 0 : i32
        %dma_wait3A_73 = tpu.memref_slice %arg5[%dma_wait3A_72] : memref<40xi32, #tpu.memory_space<vmem>> -> memref<19xi32, #tpu.memory_space<vmem>>
        %dma_wait3A_74 = arith.constant 1184 : i32
        %dma_wait3A_75 = tpu.memref_slice %arg3[%dma_wait3A_74] : memref<1203xi32, #tpu.memory_space<hbm>> -> memref<19xi32, #tpu.memory_space<hbm>>
        tpu.wait_dma2 semaphore(%run_scoped3A : memref<!tpu.dma_semaphore, #tpu.memory_space<semaphore_mem>>) src(%dma_wait3A_75 : memref<19xi32, #tpu.memory_space<hbm>>) dst(%dma_wait3A_73 : memref<19xi32, #tpu.memory_space<vmem>>)
        tpu.yield
      }) : () -> ()
      %add3A_7 = arith.constant 1200 : i32
      %add3A_8 = vector.broadcast %add3A_7 : i32 to vector<16xi32>
      %add3A_9 = arith.addi %add3A_8, %iota3A : vector<16xi32>
      %min3A = arith.constant 1202 : i32
      %min3A_10 = vector.broadcast %min3A : i32 to vector<16xi32>
      %min3A_11 = arith.minsi %add3A_9, %min3A_10 : vector<16xi32>
      %get3A = arith.constant 16 : index
      %get3A_12 = tpu.vector_load %arg5[%get3A] {strides = array<i32>} : memref<40xi32, #tpu.memory_space<vmem>>, vector<16xi32>,
      %get3A_13 = vector.shape_cast %get3A_12 : vector<16xi32> to vector<16xi32>
      %max3A = arith.constant 0 : i32
      %max3A_14 = vector.broadcast %max3A : i32 to vector<16xi32>
      %max3A_15 = arith.maxsi %get3A_13, %max3A_14 : vector<16xi32>
      %min3A_16 = arith.constant 255 : i32
      %min3A_17 = vector.broadcast %min3A_16 : i32 to vector<16xi32>
      %min3A_18 = arith.minsi %max3A_15, %min3A_17 : vector<16xi32>
      %mul3A_19 = arith.constant 256 : i32
      %mul3A_20 = vector.broadcast %mul3A_19 : i32 to vector<16xi32>
      %mul3A_21 = arith.muli %min3A_11, %mul3A_20 : vector<16xi32>
      %add3A_22 = arith.addi %mul3A_21, %min3A_18 : vector<16xi32>
      %swap3A = arith.constant 0 : index
      %swap3A_23 = tpu.vector_load %arg8[%swap3A] {strides = array<i32>} : memref<16xi32, #tpu.memory_space<vmem>>, vector<16xi32>,
      %swap3A_24 = vector.shape_cast %swap3A_23 : vector<16xi32> to vector<16xi32>
      %swap3A_25 = vector.shape_cast %add3A_22 : vector<16xi32> to vector<16xi32>
      tpu.vector_store %arg8[%swap3A], %swap3A_25 {strides = array<i32>} : memref<16xi32, #tpu.memory_space<vmem>>, vector<16xi32>,
      %dma_start3A = arith.constant 0 : i32
      %dma_start3A_26 = arith.constant 0 : i32
      %dma_start3A_27 = tpu.memref_slice %arg9[%dma_start3A, %dma_start3A_26] : memref<40x256xf32, #tpu.memory_space<vmem>> -> memref<16x256xf32, #tpu.memory_space<vmem>>
      %dma_start3A_28 = arith.constant 0 : i32
      %dma_start3A_29 = arith.constant 0 : i32
      %dma_start3A_30 = tpu.memref_slice %arg2[%dma_start3A_28, %dma_start3A_29] : memref<307968x256xf32, #tpu.memory_space<hbm>> -> memref<307968x256xf32, #tpu.memory_space<hbm>>
      tpu.enqueue_indirect_dma source(%dma_start3A_30 : memref<307968x256xf32, #tpu.memory_space<hbm>>) target(%dma_start3A_27 : memref<16x256xf32, #tpu.memory_space<vmem>>) offsets(%arg8 : memref<16xi32, #tpu.memory_space<vmem>>) semaphore(%arg10 : memref<!tpu.dma_semaphore, #tpu.memory_space<semaphore_mem>>)
      %dma_wait3A = arith.constant 0 : i32
      %dma_wait3A_31 = arith.constant 0 : i32
      %dma_wait3A_32 = tpu.memref_slice %arg9[%dma_wait3A, %dma_wait3A_31] : memref<40x256xf32, #tpu.memory_space<vmem>> -> memref<16x256xf32, #tpu.memory_space<vmem>>
      %dma_wait3A_33 = arith.constant 0 : i32
      %dma_wait3A_34 = arith.constant 0 : i32
      %dma_wait3A_35 = tpu.memref_slice %arg2[%dma_wait3A_33, %dma_wait3A_34] : memref<307968x256xf32, #tpu.memory_space<hbm>> -> memref<307968x256xf32, #tpu.memory_space<hbm>>
      tpu.wait_indirect_dma semaphore(%arg10 : memref<!tpu.dma_semaphore, #tpu.memory_space<semaphore_mem>>) src(%dma_wait3A_35 : memref<307968x256xf32, #tpu.memory_space<hbm>>) dst(%dma_wait3A_32 : memref<16x256xf32, #tpu.memory_space<vmem>>)
      %dma_start3A_36 = arith.constant 0 : i32
      %dma_start3A_37 = arith.constant 0 : i32
      %dma_start3A_38 = tpu.memref_slice %arg9[%dma_start3A_36, %dma_start3A_37] : memref<40x256xf32, #tpu.memory_space<vmem>> -> memref<3x256xf32, #tpu.memory_space<vmem>>
      %dma_start3A_39 = arith.constant 1200 : i32
      %dma_start3A_40 = arith.constant 0 : i32
      %dma_start3A_41 = tpu.memref_slice %arg4[%dma_start3A_39, %dma_start3A_40] : memref<1203x256xf32, #tpu.memory_space<hbm>> -> memref<3x256xf32, #tpu.memory_space<hbm>>
      %dma_start3A_42 = arith.constant 1200 : i32
      %dma_start3A_43 = arith.constant 0 : i32
      %dma_start3A_44 = tpu.memref_slice %arg4[%dma_start3A_42, %dma_start3A_43] : memref<1203x256xf32, #tpu.memory_space<hbm>> -> memref<3x256xf32, #tpu.memory_space<hbm>>
      %dma_start3A_45 = arith.constant 0 : i32
      %dma_start3A_46 = arith.constant 0 : i32
      %dma_start3A_47 = tpu.memref_slice %arg9[%dma_start3A_45, %dma_start3A_46] : memref<40x256xf32, #tpu.memory_space<vmem>> -> memref<3x256xf32, #tpu.memory_space<vmem>>
      tpu.enqueue_dma source(%dma_start3A_47 : memref<3x256xf32, #tpu.memory_space<vmem>>) target(%dma_start3A_44 : memref<3x256xf32, #tpu.memory_space<hbm>>) target_semaphore(%arg12 : memref<!tpu.dma_semaphore, #tpu.memory_space<semaphore_mem>>)
      %dma_wait3A_48 = arith.constant 0 : i32
      %dma_wait3A_49 = arith.constant 0 : i32
      %dma_wait3A_50 = tpu.memref_slice %arg9[%dma_wait3A_48, %dma_wait3A_49] : memref<40x256xf32, #tpu.memory_space<vmem>> -> memref<3x256xf32, #tpu.memory_space<vmem>>
      %dma_wait3A_51 = arith.constant 1200 : i32
      %dma_wait3A_52 = arith.constant 0 : i32
      %dma_wait3A_53 = tpu.memref_slice %arg4[%dma_wait3A_51, %dma_wait3A_52] : memref<1203x256xf32, #tpu.memory_space<hbm>> -> memref<3x256xf32, #tpu.memory_space<hbm>>
      %dma_wait3A_54 = arith.constant 1200 : i32
      %dma_wait3A_55 = arith.constant 0 : i32
      %dma_wait3A_56 = tpu.memref_slice %arg4[%dma_wait3A_54, %dma_wait3A_55] : memref<1203x256xf32, #tpu.memory_space<hbm>> -> memref<3x256xf32, #tpu.memory_space<hbm>>
      %dma_wait3A_57 = arith.constant 0 : i32
      %dma_wait3A_58 = arith.constant 0 : i32
      %dma_wait3A_59 = tpu.memref_slice %arg9[%dma_wait3A_57, %dma_wait3A_58] : memref<40x256xf32, #tpu.memory_space<vmem>> -> memref<3x256xf32, #tpu.memory_space<vmem>>
      tpu.wait_dma2 semaphore(%arg12 : memref<!tpu.dma_semaphore, #tpu.memory_space<semaphore_mem>>) src(%dma_wait3A_59 : memref<3x256xf32, #tpu.memory_space<vmem>>) dst(%dma_wait3A_56 : memref<3x256xf32, #tpu.memory_space<hbm>>)
    } else {
    }
    return
  }
}

</mosaic_0001>

<sc_bundles>
// kernel: _gather_rows.3.cloned.1.call-start
scs
__scs_entry_jumppad:
0x0: {  	(pc) =	sbr.rel $0x88, $3  }
0x1: {  	(tag) =	ssettag $0x0;
	lr =	simm.s32 $0x1  }
0x2: {  	[smem:$0x3F9F] =	sst lr;
	_ =	strace $0xD0000000  }
0x3: {  	_ = 	snop  }
0x4: {  	_ = 	snop  }
0x5: {  	_ = 	snop  }
0x6: {  	_ = 	snop  }
0x7: {  	_ = 	snop  }
__scs_overlays_trampoline_lowered:
0x8: {  	[smem:$0x3FAE] =	sst s0  }
0x9: {  	[smem:$0x3FAF] =	sst s1  }
0xa: {  	[smem:$0x3FB0] =	sst s2  }
0xb: {  	[smem:$0x3FB1] =	sst s3  }
0xc: {  	[smem:$0x3FB2] =	sst s4  }
0xd: {  	[smem:$0x3FB3] =	sst s5  }
0xe: {  	[smem:$0x3FB4] =	sst s6  }
0xf: {  	[smem:$0x3FB5] =	sst s7  }
0x10: {  	[smem:$0x3FB6] =	sst s8  }
0x11: {  	[smem:$0x3FB7] =	sst s9;
	s0 =	simm.s32 @!p0 $0x0  }
0x12: {  	s1 =	sld [smem:$0x3F9D];
	s0 =	simm.s32 @p0 $0x1  }
0x13: {  	[smem:$0x3FB8] =	sst s0;
	s0 =	simm.s32 @!p1 $0x0  }
0x14: {  	s2 =	sld [smem:$0x3F9C];
	s0 =	simm.s32 @p1 $0x1  }
0x15: {  	[smem:$0x3FB9] =	sst s0;
	s0 =	simm.s32 @!p2 $0x0  }
0x16: {  	s3 =	sld [smem:$0x3FDB];
	s0 =	simm.s32 @p2 $0x1  }
0x17: {  	s4 =	simm.s32 $0x1BF5;
	[smem:$0x3FBB] =	sst s0  }
0x18: {  	s0 =	sld [smem:$0x3F9E];
	_ =	swait.ge [sflag:s4], $0x0  }
0x19: {  	s7 =	sld [smem:$0x3F9F]  }
0x1a: {  	s8 =	sadd.s32 $0xFFFFE003, lr  }
0x1b: {  	s9 =	sadd.s32 $0xFFFFFEF7, lr;
	s5 =	simm.s32 $0xFFFFFFFF;
	p2 =	slt.u32 s8, $0xFFFFF086  }
0x1c: {  	p1 =	slt.u32 s9, $0xF7A;
	s5 =	simm.s32 @!p2 $0x0  }
0x1d: {  	s5 =	simm.s32 @p1 $0x1;
	p0 =	seq.s32 s7, s2  }
0x1e: {  	s7 =	smul.u32 @!p0 $0xF7A, s2;
	p2 =	seq.s32 @!p0 s5, $0x0  }
0x1f: {  	s9 =	smul.u32 $0xF7A, s1;
	s8 =	simm.s32 @!p0 $0x1BF5;
	p2 =	por !p2, p0  }
0x20: {  	[sflag:s8] =	ssyncset.s32 @!p0 $0xFFFFF086;
	s6 =	sadd.s32 @!p0 s3, s7;
	s7 =	simm.s32 @!p0 $0x108  }
0x21: {  	s3 =	sadd.s32 s3, s9;
	s6 =	sadd.s32 @!p0 $0x88, s6;
	s7 =	simm.s32 @p2 $0x1082  }
0x22: {  	[simem:s7], [sflag:s8] =	dma.local @!p0 [hbm:s6], $0xF7A  }
0x23: {  	s9 =	sor.u32 $0xD0000000, s2;
	s6 =	simm.s32 $0x108;
	_ =	swait.ge @!p0 [sflag:s8], $0x0  }
0x24: {  	s3 =	sadd.s32 $0x88, s3;
	s6 =	simm.s32 @!p1 $0x1082;
	[sflag:s4] =	ssyncset.s32 $0xFFFFF086  }
0x25: {  	[simem:s6], [sflag:s4] =	dma.local [hbm:s3], $0xF7A  }
0x26: {  	[smem:$0x3F9F] =	sst s1;
	(tag) =	ssettag s2;
	_ =	strace s9  }
0x27: {  	s1 =	sld [smem:$0x3FAF]  }
0x28: {  	s2 =	sld [smem:$0x3FB0]  }
0x29: {  	s4 =	sld [smem:$0x3FB2]  }
0x2a: {  	p0 =	seq.s32 s5, $0x0;
	s5 =	sld [smem:$0x3FB3]  }
0x2b: {  	s6 =	sld [smem:$0x3FB4]  }
0x2c: {  	s7 =	sld [smem:$0x3FB5]  }
0x2d: {  	s3 =	simm.s32 $0x108;
	s8 =	sld [smem:$0x3FB6]  }
0x2e: {  	s3 =	simm.s32 @!p0 $0x1082;
	s9 =	sld [smem:$0x3FB7]  }
0x2f: {  	lr =	sadd.s32 s0, s3;
	s0 =	sld [smem:$0x3FAE]  }
0x30: {  	s3 =	sld [smem:$0x3FB1]  }
0x31: {  	[smem:$0x3FBA] =	sst s10  }
0x32: {  	s10 =	sld [smem:$0x3FB8];
	_ =	sdelay $0x3  }
0x33: {  	p0 =	seq.s32 s10, $0x1;
	s10 =	sld [smem:$0x3FBA];
	_ =	sdelay $0x3  }
0x34: {  	[smem:$0x3FBA] =	sst s10  }
0x35: {  	s10 =	sld [smem:$0x3FB9];
	_ =	sdelay $0x3  }
0x36: {  	p1 =	seq.s32 s10, $0x1;
	s10 =	sld [smem:$0x3FBA];
	_ =	sdelay $0x3  }
0x37: {  	[smem:$0x3FBA] =	sst s10  }
0x38: {  	s10 =	sld [smem:$0x3FBB]  }
0x39: {  	_ = 	snop;
	(pc) =	sbr.ind lr, $3  }
0x3a: {  	_ = 	snop  }
0x3b: {  	_ = 	snop  }
0x3c: {  	p2 =	seq.s32 s10, $0x1;
	s10 =	sld [smem:$0x3FBA]  }
0x3d: {  	_ =	shalt  }
0x3e: {  	_ =	shalt  }
0x3f: {  	_ =	shalt  }
0x40: {  	_ =	shalt  }
0x41: {  	_ =	shalt  }
0x42: {  	_ =	shalt  }
0x43: {  	_ =	shalt  }
0x44: {  	_ =	shalt  }
0x45: {  	_ =	shalt  }
0x46: {  	_ =	shalt  }
0x47: {  	_ =	shalt  }
0x48: {  	_ =	shalt  }
0x49: {  	_ =	shalt  }
0x4a: {  	_ =	shalt  }
0x4b: {  	_ =	shalt  }
0x4c: {  	_ =	shalt  }
0x4d: {  	_ =	shalt  }
0x4e: {  	_ =	shalt  }
0x4f: {  	_ =	shalt  }
0x50: {  	_ =	shalt  }
0x51: {  	_ =	shalt  }
0x52: {  	_ =	shalt  }
0x53: {  	_ =	shalt  }
0x54: {  	_ =	shalt  }
0x55: {  	_ =	shalt  }
0x56: {  	_ =	shalt  }
0x57: {  	_ =	shalt  }
0x58: {  	_ =	shalt  }
0x59: {  	_ =	shalt  }
0x5a: {  	_ =	shalt  }
0x5b: {  	_ =	shalt  }
0x5c: {  	_ =	shalt  }
0x5d: {  	_ =	shalt  }
0x5e: {  	_ =	shalt  }
0x5f: {  	_ =	shalt  }
0x60: {  	_ =	shalt  }
0x61: {  	_ =	shalt  }
0x62: {  	_ =	shalt  }
0x63: {  	_ =	shalt  }
0x64: {  	_ =	shalt  }
0x65: {  	_ =	shalt  }
0x66: {  	_ =	shalt  }
0x67: {  	_ =	shalt  }
0x68: {  	_ =	shalt  }
0x69: {  	_ =	shalt  }
0x6a: {  	_ =	shalt  }
0x6b: {  	_ =	shalt  }
0x6c: {  	_ =	shalt  }
0x6d: {  	_ =	shalt  }
0x6e: {  	_ =	shalt  }
0x6f: {  	_ =	shalt  }
0x70: {  	_ =	shalt  }
0x71: {  	_ =	shalt  }
0x72: {  	_ =	shalt  }
0x73: {  	_ =	shalt  }
0x74: {  	_ =	shalt  }
0x75: {  	_ =	shalt  }
0x76: {  	_ =	shalt  }
0x77: {  	_ =	shalt  }
0x78: {  	_ =	shalt  }
0x79: {  	_ =	shalt  }
0x7a: {  	_ =	shalt  }
0x7b: {  	_ =	shalt  }
0x7c: {  	_ =	shalt  }
0x7d: {  	_ =	shalt  }
0x7e: {  	_ =	shalt  }
0x7f: {  	_ =	shalt  }
0x80: {  	_ =	shalt  }
0x81: {  	_ =	shalt  }
0x82: {  	_ =	shalt  }
0x83: {  	_ =	shalt  }
0x84: {  	_ =	shalt  }
0x85: {  	_ =	shalt  }
0x86: {  	_ =	shalt  }
0x87: {  	_ =	shalt  }
.Lfunc_end0:
.L_simem_size_0:
called_computation_lowered:
.L_overlay_start_0:
0x88: {  	s2 =	sld [smem:$0x3FD9]  }
0x89: {  	s3 =	sld [smem:$0x3FFE];
	_ =	sdelay $0x1  }
0x8a: {  	s1 =	srdreg.scid  }
0x8b: {  	s0 =	sand.u32 $0x1, s1  }
0x8c: {  	s18 =	sshll.u32 s0, $0xA;
	s2 =	sadd.s32 s3, s2  }
0x8d: {  	s2 =	sadd.s32 s2, s18  }
0x8e: {  	[smem:$0x3FC6] =	sst s2  }
0x8f: {  	_ = 	snop  }
0x90: {  	s2 =	sld [smem:$0x3FC9]  }
0x91: {  	s19 =	sld [smem:$0x3FC8]  }
0x92: {  	s4 =	sld [smem:$0x3FD0];
	(tm) =	ssettm $0x1  }
0x93: {  	s5 =	sld [smem:$0x3FFB];
	_ =	sdelay $0x3  }
0x94: {  	_ =	strace s5  }
0x95: {  	s5 =	sld [smem:$0x3FFC];
	_ =	sdelay $0x3  }
0x96: {  	_ =	strace s5  }
0x97: {  	s5 =	sld [smem:$0x3FFD];
	_ =	sdelay $0x3  }
0x98: {  	_ =	strace s5  }
0x99: {  	_ =	strace $0x8FFFFFFF  }
0x9a: {  	s20 =	sld [smem:$0x3FDB];
	_ =	sdelay $0x1  }
0x9b: {  	s6 =	simm.s32 $_scs_section_size  }
0x9c: {  	s7 =	simm.s32 $_size__tile_overlayer_lowered;
	s8 =	simm.s32 $_tile_overlayer_lowered  }
0x9d: {  	s23 =	simm.s32 $0x1BFF;
	s22 =	sshll.u32 s8, $0x1;
	s5 =	sadd.s32 s6, s20  }
0x9e: {  	s9 =	simm.s32 $0x0;
	s21 =	sshll.u32 s7, $0x1;
	s7 =	sadd.s32 s22, s5  }
0x9f: {  	[timem:s9], [sflag:s23] =	dma.local [hbm:s7], s21  }
0xa0: {  	_ =	swait.ge [sflag:s23], s21  }
0xa1: {  	s6 =	ssub.s32 $0x0, s21;
	[sflag:s23] =	ssyncset.done $0x0  }
0xa2: {  	[sflag:s23] =	ssyncadd.s32 s6;
	_ =	sdelay $0x1  }
0xa3: {  	s24 =	simm.s32 $0x1B8B  }
0xa4: {  	_ =	swait.ge [sflag:s24], $0x1  }
0xa5: {  	[sflag:s24] =	ssyncset.done $0x0  }
0xa6: {  	s25 =	simm.s32 $0x1B8E;
	[sflag:s24] =	ssyncadd.s32 $0xFFFFFFFF  }
0xa7: {  	s26 =	simm.s32 $execute0_lowered;
	[smem:$0x3FD2] =	sst s25  }
0xa8: {  	s6 =	sshll.u32 s26, $0x1;
	_ =	strace $0x80000046;
	[dreg:$0x1] =	wrdreg $0xFFFFFFFF  }
0xa9: {  	s28 =	simm.s32 $_size_execute0_lowered;
	s5 =	sadd.s32 s5, s6;
	[dreg:$0x0] =	wrdreg $0x0  }
0xaa: {  	s6 =	sshll.u32 s28, $0x1;
	[dreg:$0x2] =	wrdreg s5  }
0xab: {  	[dreg:$0x3] =	wrdreg s6  }
0xac: {  	[dreg:$0x4] =	wrdreg $0xC0  }
0xad: {  	_ =	task [dreg:s9], $0x5FFFF  }
0xae: {  	[dreg:$0x1] =	wrdreg $0xFFFFFFFF  }
0xaf: {  	[dreg:$0x0] =	wrdreg $0x60  }
0xb0: {  	[dreg:$0x2] =	wrdreg s2  }
0xb1: {  	[dreg:$0x3] =	wrdreg s19  }
0xb2: {  	[dreg:$0x4] =	wrdreg s4  }
0xb3: {  	[dreg:$0x5] =	wrdreg $0x9  }
0xb4: {  	_ =	task.clear_ibuf [dreg:s9], $0x6FFFF;
	_ =	strace $0x90000046  }
0xb5: {  	s29 =	simm.s32 $0x9;
	_ =	strace $0x80000048  }
0xb6: {  	_ =	swait.ge [sflag:s29], $0x1  }
0xb7: {  	[sflag:s29] =	ssyncadd.s32 $0xFFFFFFFF  }
0xb8: {  	_ =	strace $0x90000048  }
0xb9: {  	_ =	sfence  }
0xba: {  	s30 =	sld [smem:$0x0];
	_ =	sdelay $0x2  }
0xbb: {  	s31 =	sshll.u32 s1, $0xD;
	s1 =	sshrl.u32 s1, $0x2  }
0xbc: {  	s3 =	sand.u32 $0x4000, s31;
	s1 =	sadd.s32 s1, s30  }
0xbd: {  	s0 =	sor.u32 s3, s0;
	s1 =	sshll.u32 s1, $0x11  }
0xbe: {  	s0 =	sor.u32 s1, s0  }
0xbf: {  	s0 =	sadd.s32 $0x8F2B, s0  }
0xc0: {  	[sflag:s0] =	ssyncadd.remote.s32 $0x1  }
0xc1: {  	_ =	sfence.sel $0xFFFF  }
0xc2: {  	[dreg:$0x0] =	wrdreg $0xFFFFFFFF;
	(pc) =	sbr.abs _section_cstart, $3  }
0xc3: {  	[dreg:$0x1] =	wrdreg $0xFFFFFFFF  }
0xc4: {  	_ =	task.clear_ibuf [dreg:s9], $0x2FFFF;
	_ =	strace $0x9FFFFFFF  }
0xc5: {  	(tm) =	ssettm $0x7FFFFFFF  }
tec
execute0_lowered:
.L_overlay_start_1:
0x0: {  	(tag) =	ssettag $0x1  }
0x1: {  	s1 =	rddreg [dreg:$0x0]  }
0x2: {  	s8 =	rddreg [dreg:$0x1];
	s2 =	srdreg.scid  }
0x3: {  	s0 =	stileid.u32;
	s9 =	rddreg [dreg:$0x2];
	s15 =	simm.s32 $0xA00  }
0x4: {  	s16 =	simm.s32 $0x2;
	s17 =	simm.s32 $0x1200;
	s18 =	simm.s32 $0x1A00  }
0x5: {  	s19 =	simm.s32 $0x2200;
	s20 =	simm.s32 $0x3;
	s4 =	sand.u32 $0x1, s2  }
0x6: {  	s3 =	sshll.u32 s0, $0x1;
	s2 =	rddreg [dreg:$0x3];
	p1 =	seq.s32 s0, $0xF  }
0x7: {  	s10 =	sor.u32 s4, s3;
	s3 =	simm.s32 $0x0;
	s4 =	ssub.s32 $0x2, s4  }
0x8: {  	s6 =	smul.u32 $0x28, s10;
	[smem:$0x7FF] =	sst s3;
	s5 =	sshrl.u32 s4, $0x1  }
0x9: {  	v5 =	vlaneseq.u32;
	s12 =	smul.u32 $0x500, s10;
	p0 =	sne.s32 s10, $0x1E;
	_ =	strace $0x80000047  }
0xa: {  	vm3 =	vmmov $0xffff;
	v2 =	vmul.u32 $0x100, v5;
	v4 =	vshrl.u32 v5, $0x3;
	s11 =	ssub.s32 s4, s5;
	s7 =	sadd.s32 $0x10, s6;
	s30 =	sshrl.u32 s6, $0x3  }
.Ltmp0:
0xb: {  	v4 =	vmul.u32 $0x8, v4;
	vm0 =	vcmask @!p0 $0x300;
	v0 =	vmov s6;
	s14 =	sadd.s32 $0x18, s6;
	s6 =	sadd.s32 s9, s12;
	(pc) =	sbr.rel .LBB2_1-.Ltmp0, $4  }
0xc: {  	vm1 =	vcmask @!p0 $0x704;
	vm2 =	vmmov @!p0 $0xffff;
	s10 =	smax.u32 s11, $0x1;
	s12 =	simm.s32 $0x10;
	s31 =	sshrl.u32 s7, $0x3;
	v1 =	vmov s7  }
0xd: {  	s4 =	sadd.s32 s8, s30;
	s13 =	sshll.u32 s7, $0x5;
	v0 =	vshll.u32 v0, $0x8;
	v3 =	vmov s14;
	s14 =	simm.s32 $0x200;
	v1 =	vshll.u32 v1, $0x8  }
0xe: {  	s5 =	sadd.s32 s8, s31;
	s7 =	sadd.s32 s9, s13;
	s9 =	sadd.s32 $0x9600, s9;
	v0 =	vadd.s32 v2, v0;
	v3 =	vshll.u32 v3, $0x8;
	v1 =	vadd.s32 v2, v1  }
0xf: {  	s8 =	sadd.s32 $0x94, s8;
	s13 =	simm.s32 $0x1;
	s11 =	sadd.s32 @!p0 $0x80, s9;
	v2 =	vadd.s32 v2, v3;
	v3 =	vand.u32 $0x7, v5;
	v5 =	vor.u32 $0x8, v5  }
.LBB2_3:
0x10: {  	s21 =	simm.s32 @!p0 $0x0;
	s22 =	simm.s32 @!p0 $0x4  }
0x11: {  	[tilespmem:s21], [sflag:$0x4] =	stream.linear.gather @!p0 [hbm4b:s8+s21], $0x13, $0x38;
	[tilespmem:$0x2A00] =	vst v63  }
0x12: {  	_ =	swait.ge @!p0 [sflag:s22], $0x13  }
0x13: {  	[sflag:s22] =	ssyncset.done @!p0 $0x0  }
0x14: {  	[sflag:s22] =	ssyncadd.s32 @!p0 $0xFFFFFFED  }
0x15: {  	v6 =	vld @!p0 [tilespmem:$0x10];
	_ =	sdelay $0x4  }
0x16: {  	v7 =	vimm.s32 @!p0 $0x4B200;
	vm4 =	vgt.s32 @!p0 v6, $0x0  }
0x17: {  	v7 =	vsel @!p0 vm0, $0x4B000, v7;
	v6 =	vnsel @!p0 vm4, $0x0, v6  }
0x18: {  	v7 =	vsel @!p0 vm1, $0x4B100, v7;
	v6 =	vmin.u32 @!p0 v6, $0xFF  }
0x19: {  	v7 =	vor.u32 @!p0 v7, v6  }
0x1a: {  	v8 =	vshll.u32 @!p0 v7, $0x1  }
0x1b: {  	v9 =	vlaneseq.u32 @!p0;
	v6 =	vand.u32 @!p0 $0x7, v6;
	v8 =	vand.u32 @!p0 $0x967F0, v8  }
0x1c: {  	v10 =	vshrl.u32 @!p0 v9, $0x3;
	v6 =	vor.u32 @!p0 v6, v8;
	v8 =	vand.u32 @!p0 $0x7, v9  }
0x1d: {  	v10 =	vmul.u32 @!p0 $0x8, v10;
	v8 =	vperm.xlane @!p0 v6, v8  }
0x1e: {  	v9 =	vor.u32 @!p0 $0x8, v9  }
0x1f: {  	v6 =	vperm.xlane @!p0 v6, v9;
	v8 =	vadd.s32 @!p0 v10, v8;
	_ =	sdelay $0x1  }
0x20: {  	v6 =	vadd.s32 @!p0 v10, v6;
	_ =	sdelay $0x1  }
0x21: {  	s22 =	simm.s32 @!p0 $0x200;
	[tilespmem:$0x180] =	vst @!p0 v7  }
0x22: {  	[tilespmem:s22], [sflag:$0x1] =	stream.indirect_vreg.gather @!p0 [hbm4b:s1+s21], $0x80, v8, vm2, $0xb8;
	[tilespmem:$0x2A00] =	vst v63  }
0x23: {  	s23 =	simm.s32 @!p0 $0xA00  }
0x24: {  	[tilespmem:s23], [sflag:$0x1] =	stream.indirect_vreg.gather @!p0 [hbm4b:s1+s21], $0x80, v6, vm2, $0xb8;
	[tilespmem:$0x2A00] =	vst v63  }
0x25: {  	s23 =	simm.s32 @!p0 $0x1  }
0x26: {  	_ =	swait.ge @!p0 [sflag:s23], $0x1000  }
0x27: {  	[sflag:s23] =	ssyncset.done @!p0 $0x0  }
0x28: {  	s10 =	sadd.s32 $0xFFFFFFFF, s10;
	[sflag:s23] =	ssyncadd.s32 @!p0 $0xFFFFF000  }
0x29: {  	[hbm4b:s9+s21] =	stream.linear.scatter @!p0 [tilespmem:s22], [sflag:$0x3], $0x180, $0x38;
	[tilespmem:$0x2A00] =	vst v63  }
0x2a: {  	p2 =	sne.s32 s10, $0x0;
	s22 =	simm.s32 @!p0 $0x600  }
0x2b: {  	[hbm4b:s11+s21] =	stream.linear.scatter @!p0 [tilespmem:s22], [sflag:$0x3], $0x180, $0x38;
	[tilespmem:$0x2A00] =	vst v63  }
.Ltmp1:
0x2c: {  	_ = 	snop;
	(pc) =	sbr.rel @!p2 .LBB2_4-.Ltmp1, $4  }
0x2d: {  	s21 =	simm.s32 @!p0 $0x3  }
0x2e: {  	_ =	swait.ge @!p0 [sflag:s21], $0x300  }
0x2f: {  	[sflag:s21] =	ssyncset.done @!p0 $0x0  }
0x30: {  	[sflag:s21] =	ssyncadd.s32 @!p0 $0xFFFFFD00  }
.LBB2_1:
.Ltmp2:
0x31: {  	(pc) =	sbr.rel @p1 .LBB2_3-.Ltmp2, $1  }
0x32: {  	_ =	sdelay $0x3  }
0x33: {  	[tilespmem:s3], [sflag:$0x1] =	stream.linear.gather [hbm4b:s4+s3], $0x10, $0x38;
	[tilespmem:$0x2A00] =	vst v63  }
0x34: {  	_ = 	snop  }
0x35: {  	[tilespmem:s12], [sflag:$0x2] =	stream.linear.gather [hbm4b:s5+s3], $0x18, $0x38;
	[tilespmem:$0x2A00] =	vst v63  }
0x36: {  	_ =	swait.ge [sflag:s13], $0x10  }
0x37: {  	[sflag:s13] =	ssyncset.done $0x0  }
0x38: {  	[sflag:s13] =	ssyncadd.s32 $0xFFFFFFF0  }
0x39: {  	v6 =	vld [tilespmem:$0x0];
	_ =	sdelay $0x4  }
0x3a: {  	v7 =	vadd.s32 v0, v6  }
0x3b: {  	v8 =	vshll.u32 v7, $0x1  }
0x3c: {  	v6 =	vand.u32 $0x7, v6;
	v8 =	vand.u32 $0xFFFFFFF0, v8  }
0x3d: {  	v6 =	vor.u32 v6, v8  }
0x3e: {  	v8 =	vperm.xlane v6, v3;
	_ =	sdelay $0x1  }
0x3f: {  	v6 =	vperm.xlane v6, v5;
	v8 =	vadd.s32 v4, v8;
	_ =	sdelay $0x1  }
0x40: {  	v6 =	vadd.s32 v4, v6;
	_ =	sdelay $0x1  }
0x41: {  	[tilespmem:$0x80] =	vst v7  }
0x42: {  	[tilespmem:s14], [sflag:$0x1] =	stream.indirect_vreg.gather [hbm4b:s1+s3], $0x80, v8, vm3, $0xb8;
	[tilespmem:$0x2A00] =	vst v63  }
0x43: {  	_ = 	snop  }
0x44: {  	[tilespmem:s15], [sflag:$0x1] =	stream.indirect_vreg.gather [hbm4b:s1+s3], $0x80, v6, vm3, $0xb8;
	[tilespmem:$0x2A00] =	vst v63  }
0x45: {  	_ =	swait.ge [sflag:s16], $0x18  }
0x46: {  	[sflag:s16] =	ssyncset.done $0x0  }
0x47: {  	[sflag:s16] =	ssyncadd.s32 $0xFFFFFFE8  }
0x48: {  	v6 =	vld [tilespmem:$0x10]  }
0x49: {  	v7 =	vld [tilespmem:$0x18];
	_ =	sdelay $0x3  }
0x4a: {  	v6 =	vadd.s32 v1, v6  }
0x4b: {  	[tilespmem:$0x100] =	vst v6;
	v6 =	vadd.s32 v2, v7  }
0x4c: {  	[tilespmem:$0x108] =	vst v6  }
0x4d: {  	v6 =	vld [tilespmem:$0x100];
	_ =	sdelay $0x4  }
0x4e: {  	v7 =	vshll.u32 v6, $0x1  }
0x4f: {  	v6 =	vand.u32 $0x7, v6;
	v7 =	vand.u32 $0xFFFFFFF0, v7  }
0x50: {  	v6 =	vor.u32 v6, v7  }
0x51: {  	v7 =	vperm.xlane v6, v3;
	_ =	sdelay $0x1  }
0x52: {  	v6 =	vperm.xlane v6, v5;
	v7 =	vadd.s32 v4, v7;
	_ =	sdelay $0x1  }
0x53: {  	v6 =	vadd.s32 v4, v6;
	_ =	sdelay $0x2  }
0x54: {  	[tilespmem:s17], [sflag:$0x2] =	stream.indirect_vreg.gather [hbm4b:s1+s3], $0x80, v7, vm3, $0xb8;
	[tilespmem:$0x2A00] =	vst v63  }
0x55: {  	_ = 	snop  }
0x56: {  	[tilespmem:s18], [sflag:$0x2] =	stream.indirect_vreg.gather [hbm4b:s1+s3], $0x80, v6, vm3, $0xb8;
	[tilespmem:$0x2A00] =	vst v63  }
0x57: {  	v6 =	vld.msk [tilespmem:$0x110], $0xff;
	_ =	sdelay $0x4  }
0x58: {  	v7 =	vshll.u32 v6, $0x1  }
0x59: {  	v6 =	vand.u32 $0x7, v6;
	v7 =	vand.u32 $0xFFFFFFF0, v7  }
0x5a: {  	v6 =	vor.u32 v6, v7  }
0x5b: {  	v6 =	vperm.xlane v6, v3;
	_ =	sdelay $0x1  }
0x5c: {  	v6 =	vadd.s32 v4, v6;
	_ =	sdelay $0x4  }
0x5d: {  	[tilespmem:s19], [sflag:$0x2] =	stream.indirect_vreg.gather [hbm4b:s1+s3], $0x80, v6, vm3, $0xb8;
	[tilespmem:$0x2A00] =	vst v63  }
0x5e: {  	_ =	swait.ge [sflag:s13], $0x1000  }
0x5f: {  	[sflag:s13] =	ssyncset.done $0x0  }
0x60: {  	[sflag:s13] =	ssyncadd.s32 $0xFFFFF000  }
0x61: {  	[hbm4b:s6+s3] =	stream.linear.scatter [tilespmem:s14], [sflag:$0x3], $0x1000, $0x38;
	[tilespmem:$0x2A00] =	vst v63  }
0x62: {  	_ =	swait.ge [sflag:s16], $0x1800  }
0x63: {  	[sflag:s16] =	ssyncset.done $0x0  }
0x64: {  	[sflag:s16] =	ssyncadd.s32 $0xFFFFE800  }
0x65: {  	[hbm4b:s7+s3] =	stream.linear.scatter [tilespmem:s17], [sflag:$0x3], $0x1800, $0x38;
	[tilespmem:$0x2A00] =	vst v63  }
0x66: {  	_ =	swait.ge [sflag:s20], $0x1800  }
.Ltmp3:
0x67: {  	[sflag:s20] =	ssyncset.done $0x0;
	(pc) =	sbr.rel .LBB2_3-.Ltmp3, $4  }
0x68: {  	[sflag:s20] =	ssyncadd.s32 $0xFFFFE800  }
0x69: {  	_ =	swait.ge [sflag:s20], $0x1000  }
0x6a: {  	[sflag:s20] =	ssyncset.done $0x0  }
0x6b: {  	[sflag:s20] =	ssyncadd.s32 $0xFFFFF000  }
.LBB2_4:
0x6c: {  	_ =	sfence.sel $0x180000  }
0x6d: {  	[bflag:$0x0] =	sbarrier.arrive $0xFFFF  }
0x6e: {  	p0 =	sne.s32 s0, $0x0;
	_ =	strace $0x90000047  }
0x6f: {  	s0 =	sadd.s32 @!p0 $0x100000, s2;
	[bflag:$0x2] =	sbarrier.arrive $0xFFFF  }
0x70: {  	[sflag:s0] =	ssyncadd.tile.s32 @!p0 $0x1;
	_ =	shalt  }
.Lfunc_end2:
_tile_overlayer_lowered:
.L_overlay_start_2:
0x71: {  	(tag) =	ssettag $0x2  }
0x72: {  	s0 =	rddreg [dreg:$0x0];
	s2 =	stileid.u32  }
0x73: {  	s1 =	rddreg [dreg:$0x1];
	p0 =	sne.s32 s2, $0x0  }
0x74: {  	s3 =	rddreg [dreg:$0x2];
	[bflag:$0x3] =	sbarrier.arrive $0xFFFF;
	s2 =	simm.s32 @!p0 $0x1C04  }
0x75: {  	[timem:s3], [sflag:s2] =	dma.local @!p0 [hbm:s0], s1  }
0x76: {  	s0 =	simm.s32 @!p0 $0x4  }
0x77: {  	_ =	swait.ge @!p0 [sflag:s0], s1  }
0x78: {  	s1 =	ssub.s32 @!p0 $0x0, s1;
	[sflag:s0] =	ssyncset.done @!p0 $0x0  }
0x79: {  	[sflag:s0] =	ssyncadd.s32 @!p0 s1  }
0x7a: {  	[bflag:$0x3] =	sbarrier.arrive $0xFFFF  }
0x7b: {  	_ =	shalt  }

</sc_bundles>
